<compile_context>
chip_gen: v7x
topology: tpu7x:2x2x1
jax: 0.10.2.dev20260603
libtpu: 0.0.44.dev20260713+nightly
codegen_flags: <defaults>
</compile_context>

<pallas_src>
import jax
import jax.numpy as jnp
from jax.experimental import pallas as pl
from jax.experimental.pallas import tpu as pltpu
from jax.experimental.pallas import tpu_sc as plsc

B, S, D, K = 4, 4096, 4096, 8
BS = 512
NS = S // BS
NEG_INF = float("-inf")


def _scores_topk_kernel(x_ref, w_ref, b_ref, idx_ref, s_scratch):
    j = pl.program_id(1)
    xb = x_ref[0].astype(jnp.bfloat16).astype(jnp.float32)
    wb = w_ref[...].astype(jnp.bfloat16).astype(jnp.float32)
    v = xb * wb
    w_ = D
    while w_ > 128:
        h = w_ // 2
        v = v[:, :h] + v[:, h:w_]
        w_ = h
    part = jnp.sum(v, axis=1)
    s_scratch[0, pl.ds(j * BS, BS)] = part + b_ref[0, 0]

    @pl.when(j == NS - 1)
    def _():
        iota = jax.lax.broadcasted_iota(jnp.int32, (1, S), 1)
        kio = jax.lax.broadcasted_iota(jnp.int32, (1, K), 1)
        sv = s_scratch[0, :][None, :]
        idxs = jnp.zeros((1, K), jnp.int32)
        for k in range(K):
            m = jnp.max(sv)
            idx = jnp.min(jnp.where(sv == m, iota, S))
            idxs = jnp.where(kio == k, idx, idxs)
            sv = jnp.where(iota == idx, NEG_INF, sv)
        idx_ref[...] = idxs.reshape(1, 1, K)


def _sc_gather(idx_rows, x):
    n = B * K
    half = n // 2

    @pl.kernel(
        out_type=jax.ShapeDtypeStruct((B, K, D), jnp.float32),
        mesh=plsc.ScalarSubcoreMesh(axis_name="core", num_cores=2),
        scratch_types=[pltpu.SMEM((n,), jnp.int32),
                       pltpu.SemaphoreType.DMA],
    )
    def _k(idx_ref, x_ref, o_ref, idx_smem, sem):
        core = jax.lax.axis_index("core")
        pltpu.async_copy(idx_ref, idx_smem, sem).wait()

        def _copy(i):
            t = core * half + i
            b = t // K
            kk = jax.lax.rem(t, K)
            row = idx_smem[t]
            return pltpu.make_async_copy(
                x_ref.at[b, pl.ds(row, 1), :],
                o_ref.at[b, pl.ds(kk, 1), :],
                sem)

        @pl.loop(0, half)
        def _(i):
            _copy(i).start()

        @pl.loop(0, half)
        def _(i):
            _copy(i).wait()

    return _k(idx_rows, x)


def kernel(x, W, b):
    idx3 = pl.pallas_call(
        _scores_topk_kernel,
        grid=(B, NS),
        in_specs=[
            pl.BlockSpec((1, BS, D), lambda bi, j: (bi, j, 0)),
            pl.BlockSpec((1, D), lambda bi, j: (0, 0)),
            pl.BlockSpec((1, 1), lambda bi, j: (0, 0)),
        ],
        out_specs=pl.BlockSpec((1, 1, K), lambda bi, j: (bi, 0, 0)),
        out_shape=jax.ShapeDtypeStruct((B, 1, K), jnp.int32),
        scratch_shapes=[pltpu.VMEM((1, S), jnp.float32)],
        compiler_params=pltpu.CompilerParams(
            dimension_semantics=("parallel", "arbitrary"),
        ),
    )(x, W, b.reshape(1, 1))

    top_k_indices = idx3.reshape(B, K)
    idx_rows = top_k_indices.reshape(B * K)

    x_top_k = _sc_gather(idx_rows, x)

    return (x_top_k, top_k_indices[:, :, None])

# --- scband reference (transcript-rebuilt; emitter-appended) ---
"""Pipeline reference for scband-router-38903813767273 (READ-ONLY COPY).

The authoritative reference and input builder live on the scoring server;
editing this copy changes nothing except your own understanding.
"""

import jax, jax.numpy as jnp
import numpy as np

TOP_K = 8
B, S, D = 4, 4096, 4096

def setup_inputs(seed: int = 0) -> dict:
    key = jax.random.key(seed)
    k1, k2, k3 = jax.random.split(key, 3)
    x = jax.random.normal(k1, (B, S, D), dtype=jnp.float32)
    # nn.Linear(num_hidden, 1): weight [1, D], bias [1]
    W = jax.random.normal(k2, (1, D), dtype=jnp.float32) * (1.0 / np.sqrt(D))
    b = jax.random.normal(k3, (1,), dtype=jnp.float32) * 0.01
    return {"x": x, "W": W, "b": b}

def reference(x, W, b):
    # scores = self.linear(x) -> [B, S, 1]
    scores = jnp.einsum('bsd,od->bso', x, W) + b
    s = scores[..., 0]  # [B, S]
    # torch.topk(scores, top_k, dim=1) -> values/indices [B, k, 1]
    _, top_k_indices = jax.lax.top_k(s, TOP_K)  # [B, k], descending, matches torch default
    # x.gather(1, top_k_indices.expand(-1, -1, D))
    x_top_k = jnp.take_along_axis(x, top_k_indices[:, :, None], axis=1)  # [B, k, D]
    return (x_top_k, top_k_indices[:, :, None])

if __name__ == "__main__":
    import jax
    _d = setup_inputs()
    print(jax.jit(kernel)(*tuple(_d.values())))

</pallas_src>

<mosaic_0001>
#map = affine_map<(d0) -> (0)>
#map1 = affine_map<(d0) -> (0, 0, 0)>
module attributes {stable_mosaic.version = 14 : i64} {
  func.func @_k(%arg0: i32, %arg1: memref<32xi32, #tpu.memory_space<hbm>>, %arg2: memref<4x4096x4096xf32, #tpu.memory_space<hbm>>, %arg3: memref<4x8x4096xf32, #tpu.memory_space<hbm>>, %arg4: memref<32xi32, #tpu.memory_space<smem>>, %arg5: memref<!tpu.dma_semaphore, #tpu.memory_space<semaphore_mem>>) attributes {dimension_semantics = [#tpu.dimension_semantics<core_parallel>], iteration_bounds = array<i64: 2>, scalar_prefetch = 0 : i64, scratch_operands = 2 : i64, tpu.core_type = #tpu.core_type<sc_scalar_subcore>, window_params = [{transform_indices = #map}, {transform_indices = #map1}, {transform_indices = #map1}]} {
    tpu.enqueue_dma source(%arg1 : memref<32xi32, #tpu.memory_space<hbm>>) target(%arg4 : memref<32xi32, #tpu.memory_space<smem>>) target_semaphore(%arg5 : memref<!tpu.dma_semaphore, #tpu.memory_space<semaphore_mem>>)
    tpu.wait_dma2 semaphore(%arg5 : memref<!tpu.dma_semaphore, #tpu.memory_space<semaphore_mem>>) src(%arg1 : memref<32xi32, #tpu.memory_space<hbm>>) dst(%arg4 : memref<32xi32, #tpu.memory_space<smem>>)
    %scan3A = arith.constant 0 : i32
    %scan3A_0 = arith.constant 16 : i32
    %scan3A_1 = arith.addi %scan3A, %scan3A_0 : i32
    %scan3A_2 = arith.constant 1 : i32
    scf.for %scan3A_9 = %scan3A to %scan3A_1 step %scan3A_2  : i32 {
      %mul3A = arith.constant 1 : i32
      %mul3A_10 = arith.muli %scan3A_9, %mul3A : i32
      %add3A = arith.constant 0 : i32
      %add3A_11 = arith.addi %add3A, %mul3A_10 : i32
      %mul3A_12 = arith.constant 16 : i32
      %mul3A_13 = arith.muli %arg0, %mul3A_12 : i32
      %add3A_14 = arith.addi %mul3A_13, %add3A_11 : i32
      %jit3A = arith.constant 8 : i32
      %div3A = arith.divsi %add3A_14, %jit3A : i32
      %sign3A = arith.constant 0 : i32
      %sign3A_15 = arith.cmpi sgt, %add3A_14, %sign3A : i32
      %sign3A_16 = arith.extui %sign3A_15 : i1 to i32
      %sign3A_17 = arith.constant 0 : i32
      %sign3A_18 = arith.cmpi slt, %add3A_14, %sign3A_17 : i32
      %sign3A_19 = arith.extui %sign3A_18 : i1 to i32
      %sign3A_20 = arith.subi %sign3A_16, %sign3A_19 : i32
      %sign3A_21 = arith.constant 0 : i32
      %sign3A_22 = arith.cmpi sgt, %jit3A, %sign3A_21 : i32
      %sign3A_23 = arith.extui %sign3A_22 : i1 to i32
      %sign3A_24 = arith.constant 0 : i32
      %sign3A_25 = arith.cmpi slt, %jit3A, %sign3A_24 : i32
      %sign3A_26 = arith.extui %sign3A_25 : i1 to i32
      %sign3A_27 = arith.subi %sign3A_23, %sign3A_26 : i32
      %ne3A = arith.cmpi ne, %sign3A_20, %sign3A_27 : i32
      %rem3A = arith.remsi %add3A_14, %jit3A : i32
      %ne3A_28 = arith.constant 0 : i32
      %ne3A_29 = arith.cmpi ne, %rem3A, %ne3A_28 : i32
      %and3A = arith.andi %ne3A, %ne3A_29 : i1
      %sub3A = arith.constant 1 : i32
      %sub3A_30 = arith.subi %div3A, %sub3A : i32
      %select_n3A = arith.select %and3A, %sub3A_30, %div3A : i32
      %rem3A_31 = arith.constant 8 : i32
      %rem3A_32 = arith.remsi %add3A_14, %rem3A_31 : i32
      %get3A = arith.index_cast %add3A_14 : i32 to index
      %get3A_33 = memref.load %arg4[%get3A] : memref<32xi32, #tpu.memory_space<smem>>
      %dma_start3A = arith.constant 0 : i32
      %dma_start3A_34 = tpu.memref_slice %arg3[%select_n3A, %rem3A_32, %dma_start3A] : memref<4x8x4096xf32, #tpu.memory_space<hbm>> -> memref<1x1x4096xf32, #tpu.memory_space<hbm>>
      %dma_start3A_35 = tpu.memref_squeeze %dma_start3A_34 : memref<1x1x4096xf32, #tpu.memory_space<hbm>> -> memref<1x4096xf32, #tpu.memory_space<hbm>>
      %dma_start3A_36 = arith.constant 0 : i32
      %dma_start3A_37 = tpu.memref_slice %arg2[%select_n3A, %get3A_33, %dma_start3A_36] : memref<4x4096x4096xf32, #tpu.memory_space<hbm>> -> memref<1x1x4096xf32, #tpu.memory_space<hbm>>
      %dma_start3A_38 = tpu.memref_squeeze %dma_start3A_37 : memref<1x1x4096xf32, #tpu.memory_space<hbm>> -> memref<1x4096xf32, #tpu.memory_space<hbm>>
      tpu.enqueue_dma source(%dma_start3A_38 : memref<1x4096xf32, #tpu.memory_space<hbm>>) target(%dma_start3A_35 : memref<1x4096xf32, #tpu.memory_space<hbm>>) target_semaphore(%arg5 : memref<!tpu.dma_semaphore, #tpu.memory_space<semaphore_mem>>)
    }
    %scan3A_3 = arith.constant 16 : i32
    %scan3A_4 = arith.constant 0 : i32
    %scan3A_5 = arith.constant 16 : i32
    %scan3A_6 = arith.addi %scan3A_4, %scan3A_5 : i32
    %scan3A_7 = arith.constant 1 : i32
    scf.for %scan3A_9 = %scan3A_4 to %scan3A_6 step %scan3A_7  : i32 {
      %mul3A = arith.constant 1 : i32
      %mul3A_10 = arith.muli %scan3A_9, %mul3A : i32
      %add3A = arith.constant 0 : i32
      %add3A_11 = arith.addi %add3A, %mul3A_10 : i32
      %mul3A_12 = arith.constant 16 : i32
      %mul3A_13 = arith.muli %arg0, %mul3A_12 : i32
      %add3A_14 = arith.addi %mul3A_13, %add3A_11 : i32
      %jit3A = arith.constant 8 : i32
      %div3A = arith.divsi %add3A_14, %jit3A : i32
      %sign3A = arith.constant 0 : i32
      %sign3A_15 = arith.cmpi sgt, %add3A_14, %sign3A : i32
      %sign3A_16 = arith.extui %sign3A_15 : i1 to i32
      %sign3A_17 = arith.constant 0 : i32
      %sign3A_18 = arith.cmpi slt, %add3A_14, %sign3A_17 : i32
      %sign3A_19 = arith.extui %sign3A_18 : i1 to i32
      %sign3A_20 = arith.subi %sign3A_16, %sign3A_19 : i32
      %sign3A_21 = arith.constant 0 : i32
      %sign3A_22 = arith.cmpi sgt, %jit3A, %sign3A_21 : i32
      %sign3A_23 = arith.extui %sign3A_22 : i1 to i32
      %sign3A_24 = arith.constant 0 : i32
      %sign3A_25 = arith.cmpi slt, %jit3A, %sign3A_24 : i32
      %sign3A_26 = arith.extui %sign3A_25 : i1 to i32
      %sign3A_27 = arith.subi %sign3A_23, %sign3A_26 : i32
      %ne3A = arith.cmpi ne, %sign3A_20, %sign3A_27 : i32
      %rem3A = arith.remsi %add3A_14, %jit3A : i32
      %ne3A_28 = arith.constant 0 : i32
      %ne3A_29 = arith.cmpi ne, %rem3A, %ne3A_28 : i32
      %and3A = arith.andi %ne3A, %ne3A_29 : i1
      %sub3A = arith.constant 1 : i32
      %sub3A_30 = arith.subi %div3A, %sub3A : i32
      %select_n3A = arith.select %and3A, %sub3A_30, %div3A : i32
      %rem3A_31 = arith.constant 8 : i32
      %rem3A_32 = arith.remsi %add3A_14, %rem3A_31 : i32
      %get3A = arith.index_cast %add3A_14 : i32 to index
      %get3A_33 = memref.load %arg4[%get3A] : memref<32xi32, #tpu.memory_space<smem>>
      %dma_wait3A = arith.constant 0 : i32
      %dma_wait3A_34 = tpu.memref_slice %arg3[%select_n3A, %rem3A_32, %dma_wait3A] : memref<4x8x4096xf32, #tpu.memory_space<hbm>> -> memref<1x1x4096xf32, #tpu.memory_space<hbm>>
      %dma_wait3A_35 = tpu.memref_squeeze %dma_wait3A_34 : memref<1x1x4096xf32, #tpu.memory_space<hbm>> -> memref<1x4096xf32, #tpu.memory_space<hbm>>
      %dma_wait3A_36 = arith.constant 0 : i32
      %dma_wait3A_37 = tpu.memref_slice %arg2[%select_n3A, %get3A_33, %dma_wait3A_36] : memref<4x4096x4096xf32, #tpu.memory_space<hbm>> -> memref<1x1x4096xf32, #tpu.memory_space<hbm>>
      %dma_wait3A_38 = tpu.memref_squeeze %dma_wait3A_37 : memref<1x1x4096xf32, #tpu.memory_space<hbm>> -> memref<1x4096xf32, #tpu.memory_space<hbm>>
      tpu.wait_dma2 semaphore(%arg5 : memref<!tpu.dma_semaphore, #tpu.memory_space<semaphore_mem>>) src(%dma_wait3A_38 : memref<1x4096xf32, #tpu.memory_space<hbm>>) dst(%dma_wait3A_35 : memref<1x4096xf32, #tpu.memory_space<hbm>>)
    }
    %scan3A_8 = arith.constant 16 : i32
    return
  }
}

module attributes {stable_mosaic.version = 14 : i64} {
  func.func @_scores_topk_kernel(%arg0: i32, %arg1: i32, %arg2: memref<1x512x4096xf32, #tpu.memory_space<vmem>>, %arg3: memref<1x4096xf32, #tpu.memory_space<vmem>>, %arg4: memref<1x1xf32, #tpu.memory_space<vmem>>, %arg5: memref<1x1x8xi32, #tpu.memory_space<vmem>>, %arg6: memref<1x4096xf32, #tpu.memory_space<vmem>>) attributes {dimension_semantics = [#tpu.dimension_semantics<parallel>, #tpu.dimension_semantics<arbitrary>], iteration_bounds = array<i64: 4, 8>, scalar_prefetch = 0 : i64, scratch_operands = 1 : i64, tpu.core_type = #tpu.core_type<tc>, window_params = [{transform_indices = @transform_0, window_bounds = array<i64: 1, 512, 4096>}, {pipeline_mode = #tpu.pipeline_mode<synchronous>, transform_indices = @transform_1, window_bounds = array<i64: 1, 4096>}, {pipeline_mode = #tpu.pipeline_mode<synchronous>, transform_indices = @transform_2, window_bounds = array<i64: 1, 1>}, {transform_indices = @transform_3, window_bounds = array<i64: 1, 1, 8>}]} {
    %get3A = arith.constant 0 : index
    %get3A_0 = arith.constant 0 : index
    %get3A_1 = arith.constant 0 : index
    %get3A_2 = vector.load %arg2[%get3A, %get3A_0, %get3A_1] : memref<1x512x4096xf32, #tpu.memory_space<vmem>>, vector<1x512x4096xf32>
    %get3A_3 = vector.shape_cast %get3A_2 : vector<1x512x4096xf32> to vector<512x4096xf32>
    %convert_element_type3A = arith.truncf %get3A_3 : vector<512x4096xf32> to vector<512x4096xbf16>
    %convert_element_type3A_4 = arith.extf %convert_element_type3A : vector<512x4096xbf16> to vector<512x4096xf32>
    %get3A_5 = arith.constant 0 : index
    %get3A_6 = arith.constant 0 : index
    %get3A_7 = vector.load %arg3[%get3A_5, %get3A_6] : memref<1x4096xf32, #tpu.memory_space<vmem>>, vector<1x4096xf32>
    %convert_element_type3A_8 = arith.truncf %get3A_7 : vector<1x4096xf32> to vector<1x4096xbf16>
    %convert_element_type3A_9 = arith.extf %convert_element_type3A_8 : vector<1x4096xbf16> to vector<1x4096xf32>
    %mul3A = vector.broadcast %convert_element_type3A_9 : vector<1x4096xf32> to vector<512x4096xf32>
    %mul3A_10 = arith.mulf %convert_element_type3A_4, %mul3A : vector<512x4096xf32>
    %slice3A = vector.extract_strided_slice %mul3A_10 {offsets = [0, 0], sizes = [512, 2048], strides = [1, 1]} : vector<512x4096xf32> to vector<512x2048xf32>
    %slice3A_11 = vector.extract_strided_slice %mul3A_10 {offsets = [0, 2048], sizes = [512, 2048], strides = [1, 1]} : vector<512x4096xf32> to vector<512x2048xf32>
    %add3A = arith.addf %slice3A, %slice3A_11 : vector<512x2048xf32>
    %slice3A_12 = vector.extract_strided_slice %add3A {offsets = [0, 0], sizes = [512, 1024], strides = [1, 1]} : vector<512x2048xf32> to vector<512x1024xf32>
    %slice3A_13 = vector.extract_strided_slice %add3A {offsets = [0, 1024], sizes = [512, 1024], strides = [1, 1]} : vector<512x2048xf32> to vector<512x1024xf32>
    %add3A_14 = arith.addf %slice3A_12, %slice3A_13 : vector<512x1024xf32>
    %slice3A_15 = vector.extract_strided_slice %add3A_14 {offsets = [0, 0], sizes = [512, 512], strides = [1, 1]} : vector<512x1024xf32> to vector<512x512xf32>
    %slice3A_16 = vector.extract_strided_slice %add3A_14 {offsets = [0, 512], sizes = [512, 512], strides = [1, 1]} : vector<512x1024xf32> to vector<512x512xf32>
    %add3A_17 = arith.addf %slice3A_15, %slice3A_16 : vector<512x512xf32>
    %slice3A_18 = vector.extract_strided_slice %add3A_17 {offsets = [0, 0], sizes = [512, 256], strides = [1, 1]} : vector<512x512xf32> to vector<512x256xf32>
    %slice3A_19 = vector.extract_strided_slice %add3A_17 {offsets = [0, 256], sizes = [512, 256], strides = [1, 1]} : vector<512x512xf32> to vector<512x256xf32>
    %add3A_20 = arith.addf %slice3A_18, %slice3A_19 : vector<512x256xf32>
    %slice3A_21 = vector.extract_strided_slice %add3A_20 {offsets = [0, 0], sizes = [512, 128], strides = [1, 1]} : vector<512x256xf32> to vector<512x128xf32>
    %slice3A_22 = vector.extract_strided_slice %add3A_20 {offsets = [0, 128], sizes = [512, 128], strides = [1, 1]} : vector<512x256xf32> to vector<512x128xf32>
    %add3A_23 = arith.addf %slice3A_21, %slice3A_22 : vector<512x128xf32>
    %reduce_sum3A = arith.constant dense<0.000000e+00> : vector<512xf32>
    %reduce_sum3A_24 = vector.multi_reduction <add>, %add3A_23, %reduce_sum3A [1] : vector<512x128xf32> to vector<512xf32>
    %get3A_25 = arith.constant 0 : index
    %get3A_26 = arith.constant 0 : index
    %get3A_27 = vector.load %arg4[%get3A_25, %get3A_26] : memref<1x1xf32, #tpu.memory_space<vmem>>, vector<1x1xf32>
    %get3A_28 = vector.extract %get3A_27[0, 0] : f32 from vector<1x1xf32>
    %add3A_29 = vector.broadcast %get3A_28 : f32 to vector<512xf32>
    %add3A_30 = arith.addf %reduce_sum3A_24, %add3A_29 : vector<512xf32>
    %mul3A_31 = arith.constant 512 : i32
    %mul3A_32 = arith.muli %arg1, %mul3A_31 : i32
    %swap3A = arith.constant 0 : index
    %swap3A_33 = arith.index_cast %mul3A_32 : i32 to index
    %swap3A_34 = vector.load %arg6[%swap3A, %swap3A_33] : memref<1x4096xf32, #tpu.memory_space<vmem>>, vector<1x512xf32>
    %swap3A_35 = vector.shape_cast %swap3A_34 : vector<1x512xf32> to vector<512xf32>
    %swap3A_36 = vector.shape_cast %add3A_30 : vector<512xf32> to vector<1x512xf32>
    tpu.vector_store %arg6[%swap3A, %swap3A_33], %swap3A_36 {strides = array<i32>} : memref<1x4096xf32, #tpu.memory_space<vmem>>, vector<1x512xf32>,
    %eq3A = arith.constant 7 : i32
    %eq3A_37 = arith.cmpi eq, %arg1, %eq3A : i32
    %convert_element_type3A_38 = arith.extui %eq3A_37 : i1 to i32
    %cond3A = arith.constant 0 : i32
    %cond3A_39 = arith.cmpi ne, %convert_element_type3A_38, %cond3A : i32
    scf.if %cond3A_39 {
      %iota3A = tpu.iota {dimensions = array<i32: 1>} : vector<1x4096xi32>
      %iota3A_40 = tpu.iota {dimensions = array<i32: 1>} : vector<1x8xi32>
      %get3A_41 = arith.constant 0 : index
      %get3A_42 = arith.constant 0 : index
      %get3A_43 = vector.load %arg6[%get3A_41, %get3A_42] : memref<1x4096xf32, #tpu.memory_space<vmem>>, vector<1x4096xf32>
      %get3A_44 = vector.shape_cast %get3A_43 : vector<1x4096xf32> to vector<4096xf32>
      %broadcast_in_dim3A = vector.shape_cast %get3A_44 : vector<4096xf32> to vector<1x4096xf32>
      %broadcast_in_dim3A_45 = arith.constant 0 : i32
      %broadcast_in_dim3A_46 = vector.broadcast %broadcast_in_dim3A_45 : i32 to vector<1x8xi32>
      %reduce_max3A = vector.shape_cast %broadcast_in_dim3A : vector<1x4096xf32> to vector<1x1x4096xf32>
      %reduce_max3A_47 = arith.constant dense<0xFF800000> : vector<1xf32>
      %reduce_max3A_48 = vector.multi_reduction <maximumf>, %reduce_max3A, %reduce_max3A_47 [1, 2] : vector<1x1x4096xf32> to vector<1xf32>
      %reduce_max3A_49 = vector.shape_cast %reduce_max3A_48 : vector<1xf32> to vector<1x1x1xf32>
      %reduce_max3A_50 = vector.extract %reduce_max3A_49[0, 0, 0] : f32 from vector<1x1x1xf32>
      %eq3A_51 = vector.broadcast %reduce_max3A_50 : f32 to vector<1x4096xf32>
      %eq3A_52 = arith.cmpf oeq, %broadcast_in_dim3A, %eq3A_51 : vector<1x4096xf32>
      %jit3A = arith.constant 4096 : i32
      %broadcast_in_dim3A_53 = vector.broadcast %jit3A : i32 to vector<1x4096xi32>
      %select_n3A = arith.select %eq3A_52, %iota3A, %broadcast_in_dim3A_53 : vector<1x4096xi1>, vector<1x4096xi32>
      %reduce_min3A = vector.shape_cast %select_n3A : vector<1x4096xi32> to vector<1x1x4096xi32>
      %reduce_min3A_54 = arith.constant dense<2147483647> : vector<1xi32>
      %reduce_min3A_55 = vector.multi_reduction <minsi>, %reduce_min3A, %reduce_min3A_54 [1, 2] : vector<1x1x4096xi32> to vector<1xi32>
      %reduce_min3A_56 = vector.shape_cast %reduce_min3A_55 : vector<1xi32> to vector<1x1x1xi32>
      %reduce_min3A_57 = vector.extract %reduce_min3A_56[0, 0, 0] : i32 from vector<1x1x1xi32>
      %eq3A_58 = arith.constant 0 : i32
      %eq3A_59 = vector.broadcast %eq3A_58 : i32 to vector<1x8xi32>
      %eq3A_60 = arith.cmpi eq, %iota3A_40, %eq3A_59 : vector<1x8xi32>
      %broadcast_in_dim3A_61 = vector.broadcast %reduce_min3A_57 : i32 to vector<1x8xi32>
      %select_n3A_62 = arith.select %eq3A_60, %broadcast_in_dim3A_61, %broadcast_in_dim3A_46 : vector<1x8xi1>, vector<1x8xi32>
      %eq3A_63 = vector.broadcast %reduce_min3A_57 : i32 to vector<1x4096xi32>
      %eq3A_64 = arith.cmpi eq, %iota3A, %eq3A_63 : vector<1x4096xi32>
      %jit3A_65 = arith.constant 0xFF800000 : f32
      %broadcast_in_dim3A_66 = vector.broadcast %jit3A_65 : f32 to vector<1x4096xf32>
      %select_n3A_67 = arith.select %eq3A_64, %broadcast_in_dim3A_66, %broadcast_in_dim3A : vector<1x4096xi1>, vector<1x4096xf32>
      %reduce_max3A_68 = vector.shape_cast %select_n3A_67 : vector<1x4096xf32> to vector<1x1x4096xf32>
      %reduce_max3A_69 = arith.constant dense<0xFF800000> : vector<1xf32>
      %reduce_max3A_70 = vector.multi_reduction <maximumf>, %reduce_max3A_68, %reduce_max3A_69 [1, 2] : vector<1x1x4096xf32> to vector<1xf32>
      %reduce_max3A_71 = vector.shape_cast %reduce_max3A_70 : vector<1xf32> to vector<1x1x1xf32>
      %reduce_max3A_72 = vector.extract %reduce_max3A_71[0, 0, 0] : f32 from vector<1x1x1xf32>
      %eq3A_73 = vector.broadcast %reduce_max3A_72 : f32 to vector<1x4096xf32>
      %eq3A_74 = arith.cmpf oeq, %select_n3A_67, %eq3A_73 : vector<1x4096xf32>
      %jit3A_75 = arith.constant 4096 : i32
      %broadcast_in_dim3A_76 = vector.broadcast %jit3A_75 : i32 to vector<1x4096xi32>
      %select_n3A_77 = arith.select %eq3A_74, %iota3A, %broadcast_in_dim3A_76 : vector<1x4096xi1>, vector<1x4096xi32>
      %reduce_min3A_78 = vector.shape_cast %select_n3A_77 : vector<1x4096xi32> to vector<1x1x4096xi32>
      %reduce_min3A_79 = arith.constant dense<2147483647> : vector<1xi32>
      %reduce_min3A_80 = vector.multi_reduction <minsi>, %reduce_min3A_78, %reduce_min3A_79 [1, 2] : vector<1x1x4096xi32> to vector<1xi32>
      %reduce_min3A_81 = vector.shape_cast %reduce_min3A_80 : vector<1xi32> to vector<1x1x1xi32>
      %reduce_min3A_82 = vector.extract %reduce_min3A_81[0, 0, 0] : i32 from vector<1x1x1xi32>
      %eq3A_83 = arith.constant 1 : i32
      %eq3A_84 = vector.broadcast %eq3A_83 : i32 to vector<1x8xi32>
      %eq3A_85 = arith.cmpi eq, %iota3A_40, %eq3A_84 : vector<1x8xi32>
      %broadcast_in_dim3A_86 = vector.broadcast %reduce_min3A_82 : i32 to vector<1x8xi32>
      %select_n3A_87 = arith.select %eq3A_85, %broadcast_in_dim3A_86, %select_n3A_62 : vector<1x8xi1>, vector<1x8xi32>
      %eq3A_88 = vector.broadcast %reduce_min3A_82 : i32 to vector<1x4096xi32>
      %eq3A_89 = arith.cmpi eq, %iota3A, %eq3A_88 : vector<1x4096xi32>
      %jit3A_90 = arith.constant 0xFF800000 : f32
      %broadcast_in_dim3A_91 = vector.broadcast %jit3A_90 : f32 to vector<1x4096xf32>
      %select_n3A_92 = arith.select %eq3A_89, %broadcast_in_dim3A_91, %select_n3A_67 : vector<1x4096xi1>, vector<1x4096xf32>
      %reduce_max3A_93 = vector.shape_cast %select_n3A_92 : vector<1x4096xf32> to vector<1x1x4096xf32>
      %reduce_max3A_94 = arith.constant dense<0xFF800000> : vector<1xf32>
      %reduce_max3A_95 = vector.multi_reduction <maximumf>, %reduce_max3A_93, %reduce_max3A_94 [1, 2] : vector<1x1x4096xf32> to vector<1xf32>
      %reduce_max3A_96 = vector.shape_cast %reduce_max3A_95 : vector<1xf32> to vector<1x1x1xf32>
      %reduce_max3A_97 = vector.extract %reduce_max3A_96[0, 0, 0] : f32 from vector<1x1x1xf32>
      %eq3A_98 = vector.broadcast %reduce_max3A_97 : f32 to vector<1x4096xf32>
      %eq3A_99 = arith.cmpf oeq, %select_n3A_92, %eq3A_98 : vector<1x4096xf32>
      %jit3A_100 = arith.constant 4096 : i32
      %broadcast_in_dim3A_101 = vector.broadcast %jit3A_100 : i32 to vector<1x4096xi32>
      %select_n3A_102 = arith.select %eq3A_99, %iota3A, %broadcast_in_dim3A_101 : vector<1x4096xi1>, vector<1x4096xi32>
      %reduce_min3A_103 = vector.shape_cast %select_n3A_102 : vector<1x4096xi32> to vector<1x1x4096xi32>
      %reduce_min3A_104 = arith.constant dense<2147483647> : vector<1xi32>
      %reduce_min3A_105 = vector.multi_reduction <minsi>, %reduce_min3A_103, %reduce_min3A_104 [1, 2] : vector<1x1x4096xi32> to vector<1xi32>
      %reduce_min3A_106 = vector.shape_cast %reduce_min3A_105 : vector<1xi32> to vector<1x1x1xi32>
      %reduce_min3A_107 = vector.extract %reduce_min3A_106[0, 0, 0] : i32 from vector<1x1x1xi32>
      %eq3A_108 = arith.constant 2 : i32
      %eq3A_109 = vector.broadcast %eq3A_108 : i32 to vector<1x8xi32>
      %eq3A_110 = arith.cmpi eq, %iota3A_40, %eq3A_109 : vector<1x8xi32>
      %broadcast_in_dim3A_111 = vector.broadcast %reduce_min3A_107 : i32 to vector<1x8xi32>
      %select_n3A_112 = arith.select %eq3A_110, %broadcast_in_dim3A_111, %select_n3A_87 : vector<1x8xi1>, vector<1x8xi32>
      %eq3A_113 = vector.broadcast %reduce_min3A_107 : i32 to vector<1x4096xi32>
      %eq3A_114 = arith.cmpi eq, %iota3A, %eq3A_113 : vector<1x4096xi32>
      %jit3A_115 = arith.constant 0xFF800000 : f32
      %broadcast_in_dim3A_116 = vector.broadcast %jit3A_115 : f32 to vector<1x4096xf32>
      %select_n3A_117 = arith.select %eq3A_114, %broadcast_in_dim3A_116, %select_n3A_92 : vector<1x4096xi1>, vector<1x4096xf32>
      %reduce_max3A_118 = vector.shape_cast %select_n3A_117 : vector<1x4096xf32> to vector<1x1x4096xf32>
      %reduce_max3A_119 = arith.constant dense<0xFF800000> : vector<1xf32>
      %reduce_max3A_120 = vector.multi_reduction <maximumf>, %reduce_max3A_118, %reduce_max3A_119 [1, 2] : vector<1x1x4096xf32> to vector<1xf32>
      %reduce_max3A_121 = vector.shape_cast %reduce_max3A_120 : vector<1xf32> to vector<1x1x1xf32>
      %reduce_max3A_122 = vector.extract %reduce_max3A_121[0, 0, 0] : f32 from vector<1x1x1xf32>
      %eq3A_123 = vector.broadcast %reduce_max3A_122 : f32 to vector<1x4096xf32>
      %eq3A_124 = arith.cmpf oeq, %select_n3A_117, %eq3A_123 : vector<1x4096xf32>
      %jit3A_125 = arith.constant 4096 : i32
      %broadcast_in_dim3A_126 = vector.broadcast %jit3A_125 : i32 to vector<1x4096xi32>
      %select_n3A_127 = arith.select %eq3A_124, %iota3A, %broadcast_in_dim3A_126 : vector<1x4096xi1>, vector<1x4096xi32>
      %reduce_min3A_128 = vector.shape_cast %select_n3A_127 : vector<1x4096xi32> to vector<1x1x4096xi32>
      %reduce_min3A_129 = arith.constant dense<2147483647> : vector<1xi32>
      %reduce_min3A_130 = vector.multi_reduction <minsi>, %reduce_min3A_128, %reduce_min3A_129 [1, 2] : vector<1x1x4096xi32> to vector<1xi32>
      %reduce_min3A_131 = vector.shape_cast %reduce_min3A_130 : vector<1xi32> to vector<1x1x1xi32>
      %reduce_min3A_132 = vector.extract %reduce_min3A_131[0, 0, 0] : i32 from vector<1x1x1xi32>
      %eq3A_133 = arith.constant 3 : i32
      %eq3A_134 = vector.broadcast %eq3A_133 : i32 to vector<1x8xi32>
      %eq3A_135 = arith.cmpi eq, %iota3A_40, %eq3A_134 : vector<1x8xi32>
      %broadcast_in_dim3A_136 = vector.broadcast %reduce_min3A_132 : i32 to vector<1x8xi32>
      %select_n3A_137 = arith.select %eq3A_135, %broadcast_in_dim3A_136, %select_n3A_112 : vector<1x8xi1>, vector<1x8xi32>
      %eq3A_138 = vector.broadcast %reduce_min3A_132 : i32 to vector<1x4096xi32>
      %eq3A_139 = arith.cmpi eq, %iota3A, %eq3A_138 : vector<1x4096xi32>
      %jit3A_140 = arith.constant 0xFF800000 : f32
      %broadcast_in_dim3A_141 = vector.broadcast %jit3A_140 : f32 to vector<1x4096xf32>
      %select_n3A_142 = arith.select %eq3A_139, %broadcast_in_dim3A_141, %select_n3A_117 : vector<1x4096xi1>, vector<1x4096xf32>
      %reduce_max3A_143 = vector.shape_cast %select_n3A_142 : vector<1x4096xf32> to vector<1x1x4096xf32>
      %reduce_max3A_144 = arith.constant dense<0xFF800000> : vector<1xf32>
      %reduce_max3A_145 = vector.multi_reduction <maximumf>, %reduce_max3A_143, %reduce_max3A_144 [1, 2] : vector<1x1x4096xf32> to vector<1xf32>
      %reduce_max3A_146 = vector.shape_cast %reduce_max3A_145 : vector<1xf32> to vector<1x1x1xf32>
      %reduce_max3A_147 = vector.extract %reduce_max3A_146[0, 0, 0] : f32 from vector<1x1x1xf32>
      %eq3A_148 = vector.broadcast %reduce_max3A_147 : f32 to vector<1x4096xf32>
      %eq3A_149 = arith.cmpf oeq, %select_n3A_142, %eq3A_148 : vector<1x4096xf32>
      %jit3A_150 = arith.constant 4096 : i32
      %broadcast_in_dim3A_151 = vector.broadcast %jit3A_150 : i32 to vector<1x4096xi32>
      %select_n3A_152 = arith.select %eq3A_149, %iota3A, %broadcast_in_dim3A_151 : vector<1x4096xi1>, vector<1x4096xi32>
      %reduce_min3A_153 = vector.shape_cast %select_n3A_152 : vector<1x4096xi32> to vector<1x1x4096xi32>
      %reduce_min3A_154 = arith.constant dense<2147483647> : vector<1xi32>
      %reduce_min3A_155 = vector.multi_reduction <minsi>, %reduce_min3A_153, %reduce_min3A_154 [1, 2] : vector<1x1x4096xi32> to vector<1xi32>
      %reduce_min3A_156 = vector.shape_cast %reduce_min3A_155 : vector<1xi32> to vector<1x1x1xi32>
      %reduce_min3A_157 = vector.extract %reduce_min3A_156[0, 0, 0] : i32 from vector<1x1x1xi32>
      %eq3A_158 = arith.constant 4 : i32
      %eq3A_159 = vector.broadcast %eq3A_158 : i32 to vector<1x8xi32>
      %eq3A_160 = arith.cmpi eq, %iota3A_40, %eq3A_159 : vector<1x8xi32>
      %broadcast_in_dim3A_161 = vector.broadcast %reduce_min3A_157 : i32 to vector<1x8xi32>
      %select_n3A_162 = arith.select %eq3A_160, %broadcast_in_dim3A_161, %select_n3A_137 : vector<1x8xi1>, vector<1x8xi32>
      %eq3A_163 = vector.broadcast %reduce_min3A_157 : i32 to vector<1x4096xi32>
      %eq3A_164 = arith.cmpi eq, %iota3A, %eq3A_163 : vector<1x4096xi32>
      %jit3A_165 = arith.constant 0xFF800000 : f32
      %broadcast_in_dim3A_166 = vector.broadcast %jit3A_165 : f32 to vector<1x4096xf32>
      %select_n3A_167 = arith.select %eq3A_164, %broadcast_in_dim3A_166, %select_n3A_142 : vector<1x4096xi1>, vector<1x4096xf32>
      %reduce_max3A_168 = vector.shape_cast %select_n3A_167 : vector<1x4096xf32> to vector<1x1x4096xf32>
      %reduce_max3A_169 = arith.constant dense<0xFF800000> : vector<1xf32>
      %reduce_max3A_170 = vector.multi_reduction <maximumf>, %reduce_max3A_168, %reduce_max3A_169 [1, 2] : vector<1x1x4096xf32> to vector<1xf32>
      %reduce_max3A_171 = vector.shape_cast %reduce_max3A_170 : vector<1xf32> to vector<1x1x1xf32>
      %reduce_max3A_172 = vector.extract %reduce_max3A_171[0, 0, 0] : f32 from vector<1x1x1xf32>
      %eq3A_173 = vector.broadcast %reduce_max3A_172 : f32 to vector<1x4096xf32>
      %eq3A_174 = arith.cmpf oeq, %select_n3A_167, %eq3A_173 : vector<1x4096xf32>
      %jit3A_175 = arith.constant 4096 : i32
      %broadcast_in_dim3A_176 = vector.broadcast %jit3A_175 : i32 to vector<1x4096xi32>
      %select_n3A_177 = arith.select %eq3A_174, %iota3A, %broadcast_in_dim3A_176 : vector<1x4096xi1>, vector<1x4096xi32>
      %reduce_min3A_178 = vector.shape_cast %select_n3A_177 : vector<1x4096xi32> to vector<1x1x4096xi32>
      %reduce_min3A_179 = arith.constant dense<2147483647> : vector<1xi32>
      %reduce_min3A_180 = vector.multi_reduction <minsi>, %reduce_min3A_178, %reduce_min3A_179 [1, 2] : vector<1x1x4096xi32> to vector<1xi32>
      %reduce_min3A_181 = vector.shape_cast %reduce_min3A_180 : vector<1xi32> to vector<1x1x1xi32>
      %reduce_min3A_182 = vector.extract %reduce_min3A_181[0, 0, 0] : i32 from vector<1x1x1xi32>
      %eq3A_183 = arith.constant 5 : i32
      %eq3A_184 = vector.broadcast %eq3A_183 : i32 to vector<1x8xi32>
      %eq3A_185 = arith.cmpi eq, %iota3A_40, %eq3A_184 : vector<1x8xi32>
      %broadcast_in_dim3A_186 = vector.broadcast %reduce_min3A_182 : i32 to vector<1x8xi32>
      %select_n3A_187 = arith.select %eq3A_185, %broadcast_in_dim3A_186, %select_n3A_162 : vector<1x8xi1>, vector<1x8xi32>
      %eq3A_188 = vector.broadcast %reduce_min3A_182 : i32 to vector<1x4096xi32>
      %eq3A_189 = arith.cmpi eq, %iota3A, %eq3A_188 : vector<1x4096xi32>
      %jit3A_190 = arith.constant 0xFF800000 : f32
      %broadcast_in_dim3A_191 = vector.broadcast %jit3A_190 : f32 to vector<1x4096xf32>
      %select_n3A_192 = arith.select %eq3A_189, %broadcast_in_dim3A_191, %select_n3A_167 : vector<1x4096xi1>, vector<1x4096xf32>
      %reduce_max3A_193 = vector.shape_cast %select_n3A_192 : vector<1x4096xf32> to vector<1x1x4096xf32>
      %reduce_max3A_194 = arith.constant dense<0xFF800000> : vector<1xf32>
      %reduce_max3A_195 = vector.multi_reduction <maximumf>, %reduce_max3A_193, %reduce_max3A_194 [1, 2] : vector<1x1x4096xf32> to vector<1xf32>
      %reduce_max3A_196 = vector.shape_cast %reduce_max3A_195 : vector<1xf32> to vector<1x1x1xf32>
      %reduce_max3A_197 = vector.extract %reduce_max3A_196[0, 0, 0] : f32 from vector<1x1x1xf32>
      %eq3A_198 = vector.broadcast %reduce_max3A_197 : f32 to vector<1x4096xf32>
      %eq3A_199 = arith.cmpf oeq, %select_n3A_192, %eq3A_198 : vector<1x4096xf32>
      %jit3A_200 = arith.constant 4096 : i32
      %broadcast_in_dim3A_201 = vector.broadcast %jit3A_200 : i32 to vector<1x4096xi32>
      %select_n3A_202 = arith.select %eq3A_199, %iota3A, %broadcast_in_dim3A_201 : vector<1x4096xi1>, vector<1x4096xi32>
      %reduce_min3A_203 = vector.shape_cast %select_n3A_202 : vector<1x4096xi32> to vector<1x1x4096xi32>
      %reduce_min3A_204 = arith.constant dense<2147483647> : vector<1xi32>
      %reduce_min3A_205 = vector.multi_reduction <minsi>, %reduce_min3A_203, %reduce_min3A_204 [1, 2] : vector<1x1x4096xi32> to vector<1xi32>
      %reduce_min3A_206 = vector.shape_cast %reduce_min3A_205 : vector<1xi32> to vector<1x1x1xi32>
      %reduce_min3A_207 = vector.extract %reduce_min3A_206[0, 0, 0] : i32 from vector<1x1x1xi32>
      %eq3A_208 = arith.constant 6 : i32
      %eq3A_209 = vector.broadcast %eq3A_208 : i32 to vector<1x8xi32>
      %eq3A_210 = arith.cmpi eq, %iota3A_40, %eq3A_209 : vector<1x8xi32>
      %broadcast_in_dim3A_211 = vector.broadcast %reduce_min3A_207 : i32 to vector<1x8xi32>
      %select_n3A_212 = arith.select %eq3A_210, %broadcast_in_dim3A_211, %select_n3A_187 : vector<1x8xi1>, vector<1x8xi32>
      %eq3A_213 = vector.broadcast %reduce_min3A_207 : i32 to vector<1x4096xi32>
      %eq3A_214 = arith.cmpi eq, %iota3A, %eq3A_213 : vector<1x4096xi32>
      %jit3A_215 = arith.constant 0xFF800000 : f32
      %broadcast_in_dim3A_216 = vector.broadcast %jit3A_215 : f32 to vector<1x4096xf32>
      %select_n3A_217 = arith.select %eq3A_214, %broadcast_in_dim3A_216, %select_n3A_192 : vector<1x4096xi1>, vector<1x4096xf32>
      %reduce_max3A_218 = vector.shape_cast %select_n3A_217 : vector<1x4096xf32> to vector<1x1x4096xf32>
      %reduce_max3A_219 = arith.constant dense<0xFF800000> : vector<1xf32>
      %reduce_max3A_220 = vector.multi_reduction <maximumf>, %reduce_max3A_218, %reduce_max3A_219 [1, 2] : vector<1x1x4096xf32> to vector<1xf32>
      %reduce_max3A_221 = vector.shape_cast %reduce_max3A_220 : vector<1xf32> to vector<1x1x1xf32>
      %reduce_max3A_222 = vector.extract %reduce_max3A_221[0, 0, 0] : f32 from vector<1x1x1xf32>
      %eq3A_223 = vector.broadcast %reduce_max3A_222 : f32 to vector<1x4096xf32>
      %eq3A_224 = arith.cmpf oeq, %select_n3A_217, %eq3A_223 : vector<1x4096xf32>
      %jit3A_225 = arith.constant 4096 : i32
      %broadcast_in_dim3A_226 = vector.broadcast %jit3A_225 : i32 to vector<1x4096xi32>
      %select_n3A_227 = arith.select %eq3A_224, %iota3A, %broadcast_in_dim3A_226 : vector<1x4096xi1>, vector<1x4096xi32>
      %reduce_min3A_228 = vector.shape_cast %select_n3A_227 : vector<1x4096xi32> to vector<1x1x4096xi32>
      %reduce_min3A_229 = arith.constant dense<2147483647> : vector<1xi32>
      %reduce_min3A_230 = vector.multi_reduction <minsi>, %reduce_min3A_228, %reduce_min3A_229 [1, 2] : vector<1x1x4096xi32> to vector<1xi32>
      %reduce_min3A_231 = vector.shape_cast %reduce_min3A_230 : vector<1xi32> to vector<1x1x1xi32>
      %reduce_min3A_232 = vector.extract %reduce_min3A_231[0, 0, 0] : i32 from vector<1x1x1xi32>
      %eq3A_233 = arith.constant 7 : i32
      %eq3A_234 = vector.broadcast %eq3A_233 : i32 to vector<1x8xi32>
      %eq3A_235 = arith.cmpi eq, %iota3A_40, %eq3A_234 : vector<1x8xi32>
      %broadcast_in_dim3A_236 = vector.broadcast %reduce_min3A_232 : i32 to vector<1x8xi32>
      %select_n3A_237 = arith.select %eq3A_235, %broadcast_in_dim3A_236, %select_n3A_212 : vector<1x8xi1>, vector<1x8xi32>
      %reshape3A = vector.shape_cast %select_n3A_237 : vector<1x8xi32> to vector<1x1x8xi32>
      %swap3A_238 = arith.constant 0 : index
      %swap3A_239 = arith.constant 0 : index
      %swap3A_240 = arith.constant 0 : index
      %swap3A_241 = vector.load %arg5[%swap3A_238, %swap3A_239, %swap3A_240] : memref<1x1x8xi32, #tpu.memory_space<vmem>>, vector<1x1x8xi32>
      tpu.vector_store %arg5[%swap3A_238, %swap3A_239, %swap3A_240], %reshape3A {strides = array<i32>} : memref<1x1x8xi32, #tpu.memory_space<vmem>>, vector<1x1x8xi32>,
    } else {
    }
    return
  }
  func.func @transform_0(%arg0: i32, %arg1: i32) -> (i32, i32, i32) {
    %c0_i32 = arith.constant 0 : i32
    %c0_i32_0 = arith.constant 0 : i32
    return %arg0, %arg1, %c0_i32 : i32, i32, i32
  }
  func.func @transform_1(%arg0: i32, %arg1: i32) -> (i32, i32) {
    %c0_i32 = arith.constant 0 : i32
    %c0_i32_0 = arith.constant 0 : i32
    %c0_i32_1 = arith.constant 0 : i32
    return %c0_i32, %c0_i32_0 : i32, i32
  }
  func.func @transform_2(%arg0: i32, %arg1: i32) -> (i32, i32) {
    %c0_i32 = arith.constant 0 : i32
    %c0_i32_0 = arith.constant 0 : i32
    %c0_i32_1 = arith.constant 0 : i32
    return %c0_i32, %c0_i32_0 : i32, i32
  }
  func.func @transform_3(%arg0: i32, %arg1: i32) -> (i32, i32, i32) {
    %c0_i32 = arith.constant 0 : i32
    %c0_i32_0 = arith.constant 0 : i32
    %c0_i32_1 = arith.constant 0 : i32
    return %arg0, %c0_i32, %c0_i32_0 : i32, i32, i32
  }
}

</mosaic_0001>

<sc_bundles>
// kernel: kernel.4.cloned.1.call-start
scs
__scs_entry_jumppad:
0x0: {  	(pc) =	sbr.rel $0x88, $3  }
0x1: {  	(tag) =	ssettag $0x0;
	lr =	simm.s32 $0x1  }
0x2: {  	[smem:$0x3F9E] =	sst lr;
	_ =	strace $0xD0000000  }
0x3: {  	_ = 	snop  }
0x4: {  	_ = 	snop  }
0x5: {  	_ = 	snop  }
0x6: {  	_ = 	snop  }
0x7: {  	_ = 	snop  }
__scs_overlays_trampoline_lowered:
0x8: {  	[smem:$0x3FAD] =	sst s0  }
0x9: {  	[smem:$0x3FAE] =	sst s1  }
0xa: {  	[smem:$0x3FAF] =	sst s2  }
0xb: {  	[smem:$0x3FB0] =	sst s3  }
0xc: {  	[smem:$0x3FB1] =	sst s4  }
0xd: {  	[smem:$0x3FB2] =	sst s5  }
0xe: {  	[smem:$0x3FB3] =	sst s6  }
0xf: {  	[smem:$0x3FB4] =	sst s7  }
0x10: {  	[smem:$0x3FB5] =	sst s8  }
0x11: {  	[smem:$0x3FB6] =	sst s9;
	s0 =	simm.s32 @!p0 $0x0  }
0x12: {  	s1 =	sld [smem:$0x3F9C];
	s0 =	simm.s32 @p0 $0x1  }
0x13: {  	[smem:$0x3FB7] =	sst s0;
	s0 =	simm.s32 @!p1 $0x0  }
0x14: {  	s2 =	sld [smem:$0x3F9B];
	s0 =	simm.s32 @p1 $0x1  }
0x15: {  	[smem:$0x3FB8] =	sst s0;
	s0 =	simm.s32 @!p2 $0x0  }
0x16: {  	s3 =	sld [smem:$0x3FDB];
	s0 =	simm.s32 @p2 $0x1  }
0x17: {  	s4 =	simm.s32 $0x1BF5;
	[smem:$0x3FBA] =	sst s0  }
0x18: {  	s0 =	sld [smem:$0x3F9D];
	_ =	swait.ge [sflag:s4], $0x0  }
0x19: {  	s7 =	sld [smem:$0x3F9E]  }
0x1a: {  	s8 =	sadd.s32 $0xFFFFE003, lr  }
0x1b: {  	s9 =	sadd.s32 $0xFFFFFEF7, lr;
	s5 =	simm.s32 $0xFFFFFFFF;
	p2 =	slt.u32 s8, $0xFFFFF086  }
0x1c: {  	p1 =	slt.u32 s9, $0xF7A;
	s5 =	simm.s32 @!p2 $0x0  }
0x1d: {  	s5 =	simm.s32 @p1 $0x1;
	p0 =	seq.s32 s7, s2  }
0x1e: {  	s7 =	smul.u32 @!p0 $0xF7A, s2;
	p2 =	seq.s32 @!p0 s5, $0x0  }
0x1f: {  	s9 =	smul.u32 $0xF7A, s1;
	s8 =	simm.s32 @!p0 $0x1BF5;
	p2 =	por !p2, p0  }
0x20: {  	[sflag:s8] =	ssyncset.s32 @!p0 $0xFFFFF086;
	s6 =	sadd.s32 @!p0 s3, s7;
	s7 =	simm.s32 @!p0 $0x108  }
0x21: {  	s3 =	sadd.s32 s3, s9;
	s6 =	sadd.s32 @!p0 $0x88, s6;
	s7 =	simm.s32 @p2 $0x1082  }
0x22: {  	[simem:s7], [sflag:s8] =	dma.local @!p0 [hbm:s6], $0xF7A  }
0x23: {  	s9 =	sor.u32 $0xD0000000, s2;
	s6 =	simm.s32 $0x108;
	_ =	swait.ge @!p0 [sflag:s8], $0x0  }
0x24: {  	s3 =	sadd.s32 $0x88, s3;
	s6 =	simm.s32 @!p1 $0x1082;
	[sflag:s4] =	ssyncset.s32 $0xFFFFF086  }
0x25: {  	[simem:s6], [sflag:s4] =	dma.local [hbm:s3], $0xF7A  }
0x26: {  	[smem:$0x3F9E] =	sst s1;
	(tag) =	ssettag s2;
	_ =	strace s9  }
0x27: {  	s1 =	sld [smem:$0x3FAE]  }
0x28: {  	s2 =	sld [smem:$0x3FAF]  }
0x29: {  	s4 =	sld [smem:$0x3FB1]  }
0x2a: {  	p0 =	seq.s32 s5, $0x0;
	s5 =	sld [smem:$0x3FB2]  }
0x2b: {  	s6 =	sld [smem:$0x3FB3]  }
0x2c: {  	s7 =	sld [smem:$0x3FB4]  }
0x2d: {  	s3 =	simm.s32 $0x108;
	s8 =	sld [smem:$0x3FB5]  }
0x2e: {  	s3 =	simm.s32 @!p0 $0x1082;
	s9 =	sld [smem:$0x3FB6]  }
0x2f: {  	lr =	sadd.s32 s0, s3;
	s0 =	sld [smem:$0x3FAD]  }
0x30: {  	s3 =	sld [smem:$0x3FB0]  }
0x31: {  	[smem:$0x3FB9] =	sst s10  }
0x32: {  	s10 =	sld [smem:$0x3FB7];
	_ =	sdelay $0x3  }
0x33: {  	p0 =	seq.s32 s10, $0x1;
	s10 =	sld [smem:$0x3FB9];
	_ =	sdelay $0x3  }
0x34: {  	[smem:$0x3FB9] =	sst s10  }
0x35: {  	s10 =	sld [smem:$0x3FB8];
	_ =	sdelay $0x3  }
0x36: {  	p1 =	seq.s32 s10, $0x1;
	s10 =	sld [smem:$0x3FB9];
	_ =	sdelay $0x3  }
0x37: {  	[smem:$0x3FB9] =	sst s10  }
0x38: {  	s10 =	sld [smem:$0x3FBA]  }
0x39: {  	_ = 	snop;
	(pc) =	sbr.ind lr, $3  }
0x3a: {  	_ = 	snop  }
0x3b: {  	_ = 	snop  }
0x3c: {  	p2 =	seq.s32 s10, $0x1;
	s10 =	sld [smem:$0x3FB9]  }
0x3d: {  	_ =	shalt  }
0x3e: {  	_ =	shalt  }
0x3f: {  	_ =	shalt  }
0x40: {  	_ =	shalt  }
0x41: {  	_ =	shalt  }
0x42: {  	_ =	shalt  }
0x43: {  	_ =	shalt  }
0x44: {  	_ =	shalt  }
0x45: {  	_ =	shalt  }
0x46: {  	_ =	shalt  }
0x47: {  	_ =	shalt  }
0x48: {  	_ =	shalt  }
0x49: {  	_ =	shalt  }
0x4a: {  	_ =	shalt  }
0x4b: {  	_ =	shalt  }
0x4c: {  	_ =	shalt  }
0x4d: {  	_ =	shalt  }
0x4e: {  	_ =	shalt  }
0x4f: {  	_ =	shalt  }
0x50: {  	_ =	shalt  }
0x51: {  	_ =	shalt  }
0x52: {  	_ =	shalt  }
0x53: {  	_ =	shalt  }
0x54: {  	_ =	shalt  }
0x55: {  	_ =	shalt  }
0x56: {  	_ =	shalt  }
0x57: {  	_ =	shalt  }
0x58: {  	_ =	shalt  }
0x59: {  	_ =	shalt  }
0x5a: {  	_ =	shalt  }
0x5b: {  	_ =	shalt  }
0x5c: {  	_ =	shalt  }
0x5d: {  	_ =	shalt  }
0x5e: {  	_ =	shalt  }
0x5f: {  	_ =	shalt  }
0x60: {  	_ =	shalt  }
0x61: {  	_ =	shalt  }
0x62: {  	_ =	shalt  }
0x63: {  	_ =	shalt  }
0x64: {  	_ =	shalt  }
0x65: {  	_ =	shalt  }
0x66: {  	_ =	shalt  }
0x67: {  	_ =	shalt  }
0x68: {  	_ =	shalt  }
0x69: {  	_ =	shalt  }
0x6a: {  	_ =	shalt  }
0x6b: {  	_ =	shalt  }
0x6c: {  	_ =	shalt  }
0x6d: {  	_ =	shalt  }
0x6e: {  	_ =	shalt  }
0x6f: {  	_ =	shalt  }
0x70: {  	_ =	shalt  }
0x71: {  	_ =	shalt  }
0x72: {  	_ =	shalt  }
0x73: {  	_ =	shalt  }
0x74: {  	_ =	shalt  }
0x75: {  	_ =	shalt  }
0x76: {  	_ =	shalt  }
0x77: {  	_ =	shalt  }
0x78: {  	_ =	shalt  }
0x79: {  	_ =	shalt  }
0x7a: {  	_ =	shalt  }
0x7b: {  	_ =	shalt  }
0x7c: {  	_ =	shalt  }
0x7d: {  	_ =	shalt  }
0x7e: {  	_ =	shalt  }
0x7f: {  	_ =	shalt  }
0x80: {  	_ =	shalt  }
0x81: {  	_ =	shalt  }
0x82: {  	_ =	shalt  }
0x83: {  	_ =	shalt  }
0x84: {  	_ =	shalt  }
0x85: {  	_ =	shalt  }
0x86: {  	_ =	shalt  }
0x87: {  	_ =	shalt  }
.Lfunc_end0:
.L_simem_size_0:
called_computation_lowered:
.L_overlay_start_0:
0x88: {  	s2 =	sld [smem:$0x3FD9]  }
0x89: {  	s3 =	sld [smem:$0x3FFE];
	_ =	sdelay $0x1  }
0x8a: {  	s1 =	srdreg.scid  }
0x8b: {  	s0 =	sand.u32 $0x1, s1  }
0x8c: {  	s20 =	sshll.u32 s0, $0xA;
	s2 =	sadd.s32 s3, s2  }
0x8d: {  	s2 =	sadd.s32 s2, s20  }
0x8e: {  	[smem:$0x3FC5] =	sst s2  }
0x8f: {  	_ = 	snop  }
0x90: {  	s21 =	sld [smem:$0x3FD0];
	_ =	sdelay $0x2  }
0x91: {  	s4 =	simm.s32 $0xA;
	s5 =	simm.s32 $0x90;
	s2 =	sld [smem:$0x3FC9]  }
0x92: {  	[smem:s5], [sflag:s4] =	dma.local [hbm:s21], $0x1  }
0x93: {  	_ =	swait.eq [sflag:s4], $0x1  }
0x94: {  	[sflag:s4] =	ssyncset.done $0x0  }
0x95: {  	s3 =	sld [smem:$0x90];
	[sflag:s4] =	ssyncadd.s32 $0xFFFFFFFF;
	s4 =	simm.s32 $0x0  }
0x96: {  	[smem:$0xF] =	sst s4  }
0x97: {  	(tm) =	ssettm $0x1  }
0x98: {  	s22 =	sld [smem:$0x3FFB];
	_ =	sdelay $0x3  }
0x99: {  	_ =	strace s22  }
0x9a: {  	s5 =	sld [smem:$0x3FFC];
	_ =	sdelay $0x3  }
0x9b: {  	_ =	strace s5  }
0x9c: {  	s5 =	sld [smem:$0x3FFD];
	_ =	sdelay $0x3  }
0x9d: {  	_ =	strace s5  }
0x9e: {  	s23 =	simm.s32 $0x1B8B;
	_ =	strace $0x8FFFFFFF  }
0x9f: {  	_ =	swait.ge [sflag:s23], $0x1  }
0xa0: {  	s6 =	sld [smem:$0x3FFE]  }
0xa1: {  	[sflag:s23] =	ssyncset.done $0x0  }
0xa2: {  	s24 =	simm.s32 $0x1B8E;
	[sflag:s23] =	ssyncadd.s32 $0xFFFFFFFF  }
0xa3: {  	s7 =	simm.s32 $0x10;
	[smem:$0x3FD2] =	sst s24  }
0xa4: {  	s5 =	simm.s32 $0x9;
	_ =	strace $0x80000046;
	s6 =	sadd.s32 $0x200, s6  }
0xa5: {  	[smem:s7], [sflag:s5] =	dma.local [hbm:s6], $0x10  }
0xa6: {  	s8 =	sshll.u32 s0, $0x4;
	_ =	swait.ge [sflag:s5], $0x10  }
0xa7: {  	s29 =	simm.s32 $0x1;
	s9 =	sadd.s32 $0x10, s8;
	[sflag:s5] =	ssyncset.done $0x0  }
0xa8: {  	s25 =	sadd.s32 $0x0, s8;
	s26 =	sand.u32 $0x7, s4;
	[sflag:s5] =	ssyncadd.s32 $0xFFFFFFF0  }
0xa9: {  	p0 =	seq.s32 s25, $0x0;
	p1 =	sne.s32 s26, $0x0;
	s10 =	sld [smem:s9+$0x0]  }
0xaa: {  	s31 =	sand.u32 $0x7, s29;
	p0 =	por !p0, !p1  }
0xab: {  	s11 =	simm.s32 $0x1;
	p2 =	sne.s32 s31, $0x0;
	p0 =	por !p0, !p0  }
0xac: {  	s28 =	sand.u32 $0x380, s4;
	s11 =	simm.s32 @!p0 $0x0;
	s7 =	sshrl.u32 s25, $0x3  }
0xad: {  	s6 =	simm.s32 $0x1;
	s7 =	ssub.s32 s7, s11;
	s12 =	sshll.u32 s10, $0xC  }
0xae: {  	s13 =	sshll.u32 s7, $0x18;
	s10 =	sshll.u32 s10, $0x7;
	s12 =	sand.u32 $0xFFFF8000, s12  }
0xaf: {  	s14 =	sshll.u32 s7, $0xF;
	s10 =	sand.u32 $0x380, s10;
	s12 =	sadd.s32 s13, s12  }
0xb0: {  	s7 =	simm.s32 $0x80;
	s11 =	sor.u32 s28, s14;
	s10 =	sor.u32 s10, s12  }
0xb1: {  	s30 =	sshrl.u32 s11, $0x3;
	s11 =	sadd.s32 $0x1, s8;
	s10 =	sshrl.u32 s10, $0x3  }
0xb2: {  	s9 =	sadd.s32 $0x1, s9;
	s13 =	sadd.s32 s3, s30;
	s10 =	sadd.s32 s2, s10  }
0xb3: {  	[hbm:s13@s7], [sflag:s5] =	dma.strided [hbm:s10@s7], $0x200, s6, $0x10   }
0xb4: {  	p1 =	seq.s32 s11, $0x0;
	s10 =	simm.s32 $0x2;
	s12 =	sld [smem:s9+$0x0]  }
.LBB1_1:
0xb5: {  	p1 =	por !p1, !p2  }
0xb6: {  	p0 =	sne.s32 s10, $0xF;
	s13 =	simm.s32 $0x1;
	p1 =	por !p1, !p1  }
0xb7: {  	s4 =	sadd.s32 $0x80, s4;
	s11 =	sshrl.u32 s11, $0x3;
	s13 =	simm.s32 @!p1 $0x0  }
0xb8: {  	s9 =	sadd.s32 $0x1, s9;
	s11 =	ssub.s32 s11, s13  }
0xb9: {  	s13 =	sand.u32 $0x380, s4;
	s14 =	sshll.u32 s12, $0xC;
	s12 =	sshll.u32 s12, $0x7  }
0xba: {  	s15 =	sshll.u32 s11, $0x18;
	s14 =	sand.u32 $0xFFFF8000, s14;
	s16 =	sshll.u32 s11, $0xF  }
0xbb: {  	s12 =	sand.u32 $0x380, s12;
	s11 =	sadd.s32 s10, s8;
	s14 =	sadd.s32 s15, s14  }
0xbc: {  	s13 =	sor.u32 s13, s16;
	s12 =	sor.u32 s12, s14;
	s14 =	sand.u32 $0x7, s10  }
.Ltmp0:
0xbd: {  	s13 =	sshrl.u32 s13, $0x3;
	s12 =	sshrl.u32 s12, $0x3;
	(pc) =	sbr.rel @p0 .LBB1_1-.Ltmp0, $3  }
0xbe: {  	p1 =	seq.s32 s11, $0x0;
	s13 =	sadd.s32 s3, s13;
	s12 =	sadd.s32 s2, s12  }
0xbf: {  	[hbm:s13@s7], [sflag:s5] =	dma.strided [hbm:s12@s7], $0x200, s6, $0x10   }
0xc0: {  	s10 =	sadd.s32 $0x1, s10;
	p2 =	sne.s32 s14, $0x0;
	s12 =	sld [smem:s9+$0x0]  }
0xc1: {  	p0 =	por !p1, !p2  }
0xc2: {  	s8 =	simm.s32 $0x1;
	p0 =	por !p0, !p0  }
0xc3: {  	s4 =	sadd.s32 $0x80, s4;
	s9 =	sshrl.u32 s11, $0x3;
	s8 =	simm.s32 @!p0 $0x0  }
0xc4: {  	s4 =	sand.u32 $0x380, s4;
	s8 =	ssub.s32 s9, s8;
	s23 =	sshll.u32 s12, $0xC  }
0xc5: {  	s24 =	sshll.u32 s12, $0x7;
	s10 =	sshll.u32 s8, $0x18;
	s9 =	sand.u32 $0xFFFF8000, s23  }
0xc6: {  	s8 =	sshll.u32 s8, $0xF;
	s25 =	sand.u32 $0x380, s24;
	s9 =	sadd.s32 s10, s9  }
0xc7: {  	s4 =	sor.u32 s4, s8;
	s26 =	sor.u32 s25, s9  }
0xc8: {  	s4 =	sshrl.u32 s4, $0x3;
	s8 =	sshrl.u32 s26, $0x3  }
0xc9: {  	s28 =	simm.s32 $0x9;
	s3 =	sadd.s32 s3, s4;
	s2 =	sadd.s32 s2, s8  }
0xca: {  	[hbm:s3@s7], [sflag:s5] =	dma.strided [hbm:s2@s7], $0x200, s6, $0x10   }
0xcb: {  	_ =	swait.ge [sflag:s28], $0x200  }
0xcc: {  	[sflag:s28] =	ssyncset.done $0x0  }
0xcd: {  	[sflag:s28] =	ssyncadd.s32 $0xFFFFFE00;
	_ =	sdelay $0x2  }
0xce: {  	_ =	swait.ge [sflag:s28], $0x200  }
0xcf: {  	[sflag:s28] =	ssyncset.done $0x0  }
0xd0: {  	[sflag:s28] =	ssyncadd.s32 $0xFFFFFE00;
	_ =	sdelay $0x2  }
0xd1: {  	_ =	swait.ge [sflag:s28], $0x200  }
0xd2: {  	[sflag:s28] =	ssyncset.done $0x0  }
0xd3: {  	[sflag:s28] =	ssyncadd.s32 $0xFFFFFE00;
	_ =	sdelay $0x2  }
0xd4: {  	_ =	swait.ge [sflag:s28], $0x200  }
0xd5: {  	[sflag:s28] =	ssyncset.done $0x0  }
0xd6: {  	[sflag:s28] =	ssyncadd.s32 $0xFFFFFE00;
	_ =	sdelay $0x2  }
0xd7: {  	_ =	swait.ge [sflag:s28], $0x200  }
0xd8: {  	[sflag:s28] =	ssyncset.done $0x0  }
0xd9: {  	[sflag:s28] =	ssyncadd.s32 $0xFFFFFE00;
	_ =	sdelay $0x2  }
0xda: {  	_ =	swait.ge [sflag:s28], $0x200  }
0xdb: {  	[sflag:s28] =	ssyncset.done $0x0  }
0xdc: {  	[sflag:s28] =	ssyncadd.s32 $0xFFFFFE00;
	_ =	sdelay $0x2  }
0xdd: {  	_ =	swait.ge [sflag:s28], $0x200  }
0xde: {  	[sflag:s28] =	ssyncset.done $0x0  }
0xdf: {  	[sflag:s28] =	ssyncadd.s32 $0xFFFFFE00;
	_ =	sdelay $0x2  }
0xe0: {  	_ =	swait.ge [sflag:s28], $0x200  }
0xe1: {  	[sflag:s28] =	ssyncset.done $0x0  }
0xe2: {  	[sflag:s28] =	ssyncadd.s32 $0xFFFFFE00;
	_ =	sdelay $0x2  }
0xe3: {  	_ =	swait.ge [sflag:s28], $0x200  }
0xe4: {  	[sflag:s28] =	ssyncset.done $0x0  }
0xe5: {  	[sflag:s28] =	ssyncadd.s32 $0xFFFFFE00;
	_ =	sdelay $0x2  }
0xe6: {  	_ =	swait.ge [sflag:s28], $0x200  }
0xe7: {  	[sflag:s28] =	ssyncset.done $0x0  }
0xe8: {  	[sflag:s28] =	ssyncadd.s32 $0xFFFFFE00;
	_ =	sdelay $0x2  }
0xe9: {  	_ =	swait.ge [sflag:s28], $0x200  }
0xea: {  	[sflag:s28] =	ssyncset.done $0x0  }
0xeb: {  	[sflag:s28] =	ssyncadd.s32 $0xFFFFFE00;
	_ =	sdelay $0x2  }
0xec: {  	_ =	swait.ge [sflag:s28], $0x200  }
0xed: {  	[sflag:s28] =	ssyncset.done $0x0  }
0xee: {  	[sflag:s28] =	ssyncadd.s32 $0xFFFFFE00;
	_ =	sdelay $0x2  }
0xef: {  	_ =	swait.ge [sflag:s28], $0x200  }
0xf0: {  	[sflag:s28] =	ssyncset.done $0x0  }
0xf1: {  	[sflag:s28] =	ssyncadd.s32 $0xFFFFFE00;
	_ =	sdelay $0x2  }
0xf2: {  	_ =	swait.ge [sflag:s28], $0x200  }
0xf3: {  	[sflag:s28] =	ssyncset.done $0x0  }
0xf4: {  	[sflag:s28] =	ssyncadd.s32 $0xFFFFFE00;
	_ =	sdelay $0x2  }
0xf5: {  	_ =	swait.ge [sflag:s28], $0x200  }
0xf6: {  	[sflag:s28] =	ssyncset.done $0x0  }
0xf7: {  	[sflag:s28] =	ssyncadd.s32 $0xFFFFFE00;
	_ =	sdelay $0x2  }
0xf8: {  	_ =	swait.ge [sflag:s28], $0x200  }
0xf9: {  	[sflag:s28] =	ssyncset.done $0x0  }
0xfa: {  	[sflag:s28] =	ssyncadd.s32 $0xFFFFFE00  }
0xfb: {  	_ =	strace $0x90000046  }
0xfc: {  	_ =	sfence  }
0xfd: {  	s29 =	sld [smem:$0x0];
	_ =	sdelay $0x2  }
0xfe: {  	s30 =	sshll.u32 s1, $0xD;
	s31 =	sshrl.u32 s1, $0x2  }
0xff: {  	s3 =	sand.u32 $0x4000, s30;
	s1 =	sadd.s32 s31, s29  }
0x100: {  	s0 =	sor.u32 s3, s0;
	s1 =	sshll.u32 s1, $0x11  }
0x101: {  	s0 =	sor.u32 s1, s0  }
0x102: {  	s0 =	sadd.s32 $0x8F2B, s0;
	(pc) =	sbr.abs _section_cstart, $3  }
0x103: {  	[sflag:s0] =	ssyncadd.remote.s32 $0x1  }
0x104: {  	_ =	strace $0x9FFFFFFF  }
0x105: {  	(tm) =	ssettm $0x7FFFFFFF  }

</sc_bundles>
